<compile_context>
chip_gen: v7x
topology: tpu7x:2x2x1
jax: 0.10.2.dev20260603
libtpu: 0.0.44.dev20260713+nightly
codegen_flags: <defaults>
</compile_context>

<pallas_src>
import functools

import jax
import jax.numpy as jnp
from jax.experimental import pallas as pl
from jax.experimental.pallas import tpu as pltpu
from jax.experimental.pallas import tpu_sc as plsc

_TEMP = 0.07
_INVT = 1.0 / _TEMP
_EMA = 0.99
_FMAX = jnp.finfo(jnp.float32).max
_FEPS = jnp.finfo(jnp.float32).eps
_LB = 128
_BI = 4


def _logit_kernel(x_ref, o_ref, *, q, k, b2, bi):
    pid = pl.program_id(0)
    li = jax.lax.broadcasted_iota(jnp.int32, (q, k, b2), 2)
    for j in range(bi):
        x = x_ref[j]
        mq3 = jnp.max(jnp.max(x, axis=2, keepdims=True), axis=1, keepdims=True)
        e = jnp.exp((x - mq3) * _INVT)
        sq = jnp.sum(jnp.sum(e, axis=2), axis=1, keepdims=True)
        mq2 = jnp.max(jnp.max(x, axis=2), axis=1, keepdims=True)
        lse = mq2 * _INVT + jnp.log(sq)
        d = jnp.sum(jnp.where(li == pid * bi + j, x, 0.0), axis=2)
        o_ref[j] = d * _INVT - lse


def _math_kernel(logit_ref, mask_ref, det_ref, conf_ref, tc2_ref, *, b, q, k):
    lg = logit_ref[...]
    mkf = mask_ref[...]
    mk = mkf != 0.0
    det3 = jnp.broadcast_to(det_ref[...][None, :, :], (q, k, b))

    cl = jnp.where(mk, lg, -_FMAX)
    mx = jnp.max(cl, axis=1, keepdims=True)
    e = jnp.exp(cl - mx)
    sm = e / jnp.sum(e, axis=1, keepdims=True)
    conf = jnp.where(mk, sm, 0.0)
    conf_ref[...] = conf

    kio = jax.lax.broadcasted_iota(jnp.int32, (q, k, b), 1)
    cmax = jnp.max(conf, axis=1, keepdims=True)
    amax = jnp.min(jnp.where(conf == cmax, kio, k), axis=1, keepdims=True)
    tcf = jnp.where(mk, (kio == amax).astype(jnp.int32), 0)
    co = jnp.max(det3 * tcf, axis=1, keepdims=True)
    tc2_ref[...] = (co == det3).astype(jnp.float32)


def _bank_kernel(blk_ref, lane_ref, pos_ref, fresh_ref,
                 cblk_ref, tc2_ref, logit_ref, mask_ref,
                 out_ref, pseudo_ref, loss_ref,
                 num_acc, den_acc, *, b, q, k):
    i = pl.program_id(0)
    l = lane_ref[i]
    p = pos_ref[i]

    @pl.when(i == 0)
    def _init():
        num_acc[0, 0] = 0.0
        den_acc[0, 0] = 0.0

    cblk = cblk_ref[...]
    li = jax.lax.broadcasted_iota(jnp.int32, (q, k, _LB), 2)
    oldrow = jnp.sum(jnp.where(li == l, cblk, 0.0), axis=2)
    mrow = mask_ref[0]
    lrow = logit_ref[0]
    ps = jnp.where(mrow != 0.0, oldrow, 0.0)
    pseudo_ref[0] = ps
    num_acc[0, 0] += jnp.sum(ps * lrow)
    den_acc[0, 0] += jnp.sum(mrow[:, 0:1])

    pl_ = jnp.mod(p, _LB)
    col = jnp.where(li == pl_, tc2_ref[...], 0.0)
    tc2l = pltpu.roll(col, jnp.mod(l - pl_, _LB), 2)

    @pl.when(fresh_ref[i] == 1)
    def _first_visit():
        out_ref[...] = cblk

    base = out_ref[...]
    out_ref[...] = jnp.where(li == l, _EMA * base + (1.0 - _EMA) * tc2l, base)

    @pl.when(i == b - 1)
    def _fin():
        loss_ref[0, 0] = -num_acc[0, 0] / (den_acc[0, 0] + _FEPS)


def _sc_table_copy(table):
    rows = table.shape[0]
    info = plsc.get_sparse_core_info()
    nw = info.num_cores * info.num_subcores
    rpw = rows // nw
    mesh = plsc.VectorSubcoreMesh(core_axis_name="c", subcore_axis_name="s")

    @functools.partial(
        pl.kernel,
        out_type=jax.ShapeDtypeStruct(table.shape, table.dtype),
        mesh=mesh,
    )
    def copy_k(t_hbm, o_hbm):
        w = jax.lax.axis_index("s") * info.num_cores + jax.lax.axis_index("c")
        pltpu.sync_copy(t_hbm.at[pl.ds(w * rpw, rpw)],
                        o_hbm.at[pl.ds(w * rpw, rpw)])

    return copy_k(table)


def kernel(output, batch_index, det_labels, x_mask, confidence):
    b, b2, q, k = output.shape
    n = confidence.shape[0]

    out_t = jnp.transpose(output, (0, 2, 3, 1))
    logit = pl.pallas_call(
        functools.partial(_logit_kernel, q=q, k=k, b2=b2, bi=_BI),
        grid=(b // _BI,),
        in_specs=[pl.BlockSpec((_BI, q, k, b2), lambda i: (i, 0, 0, 0))],
        out_specs=pl.BlockSpec((_BI, q, k), lambda i: (i, 0, 0)),
        out_shape=jax.ShapeDtypeStruct((b, q, k), jnp.float32),
    )(out_t)

    idx = batch_index.astype(jnp.int32)
    order = jnp.argsort(idx // _LB)
    idx_s = idx[order]
    blk_s = idx_s // _LB
    lane_s = idx_s % _LB
    pos_s = order.astype(jnp.int32)
    fresh_s = jnp.concatenate(
        [jnp.ones((1,), jnp.int32), (blk_s[1:] != blk_s[:-1]).astype(jnp.int32)])

    conf_t = jnp.transpose(confidence, (1, 2, 0))
    base_t = _sc_table_copy(conf_t.reshape(q * k, n)).reshape(q, k, n)
    logit_t = jnp.transpose(logit, (1, 2, 0))
    mask_f = x_mask.astype(jnp.float32)
    mask_t = jnp.transpose(mask_f, (1, 2, 0))
    det_t = jnp.transpose(det_labels.astype(jnp.int32), (1, 0))

    conf_out_t, tc2_t = pl.pallas_call(
        functools.partial(_math_kernel, b=b, q=q, k=k),
        in_specs=[
            pl.BlockSpec(memory_space=pltpu.VMEM),
            pl.BlockSpec(memory_space=pltpu.VMEM),
            pl.BlockSpec(memory_space=pltpu.VMEM),
        ],
        out_specs=[
            pl.BlockSpec(memory_space=pltpu.VMEM),
            pl.BlockSpec(memory_space=pltpu.VMEM),
        ],
        out_shape=[
            jax.ShapeDtypeStruct((q, k, b), jnp.float32),
            jax.ShapeDtypeStruct((q, k, b), jnp.float32),
        ],
    )(logit_t, mask_t, det_t)

    newconf_t, pseudo, loss11 = pl.pallas_call(
        functools.partial(_bank_kernel, b=b, q=q, k=k),
        grid_spec=pltpu.PrefetchScalarGridSpec(
            num_scalar_prefetch=4,
            grid=(b,),
            in_specs=[
                pl.BlockSpec((q, k, _LB), lambda i, bl, la, po, fr: (0, 0, bl[i])),
                pl.BlockSpec((q, k, _LB), lambda i, bl, la, po, fr: (0, 0, po[i] // _LB)),
                pl.BlockSpec((1, q, k), lambda i, bl, la, po, fr: (po[i], 0, 0)),
                pl.BlockSpec((1, q, k), lambda i, bl, la, po, fr: (po[i], 0, 0)),
            ],
            out_specs=[
                pl.BlockSpec((q, k, _LB), lambda i, bl, la, po, fr: (0, 0, bl[i])),
                pl.BlockSpec((1, q, k), lambda i, bl, la, po, fr: (po[i], 0, 0)),
                pl.BlockSpec(memory_space=pltpu.SMEM),
            ],
            scratch_shapes=[
                pltpu.SMEM((1, 1), jnp.float32),
                pltpu.SMEM((1, 1), jnp.float32),
            ],
        ),
        out_shape=[
            jax.ShapeDtypeStruct((q, k, n), jnp.float32),
            jax.ShapeDtypeStruct((b, q, k), jnp.float32),
            jax.ShapeDtypeStruct((1, 1), jnp.float32),
        ],
        input_output_aliases={4: 0},
    )(blk_s, lane_s, pos_s, fresh_s, base_t, tc2_t, logit, mask_f)

    conf_out = jnp.transpose(conf_out_t, (2, 0, 1))
    new_conf = jnp.transpose(newconf_t, (2, 0, 1))
    return (loss11[0, 0], logit, pseudo, conf_out, new_conf)

# --- scband reference (transcript-rebuilt; emitter-appended) ---
"""Pipeline reference for scband-con-loss-co-label-17171279249595 (READ-ONLY COPY).

The authoritative reference and input builder live on the scoring server;
editing this copy changes nothing except your own understanding.
"""

import jax, jax.numpy as jnp
import numpy as np

N, Q, K = 100000, 16, 32
B = 256
TEMPERATURE = 0.07
BASE_TEMPERATURE = 1.0
CONF_EMA_M = 0.99
FINF = jnp.finfo(jnp.float32).max
FEPS = jnp.finfo(jnp.float32).eps


def log_softmax(x, axis=-1):
    m = jnp.max(x, axis=axis, keepdims=True)
    x = x - m
    return x - jax.scipy.special.logsumexp(x, axis=axis, keepdims=True)


def setup_inputs(seed: int = 0):
    key = jax.random.key(seed)
    k1, k2, k3, k4, k5 = jax.random.split(key, 5)
    output = jax.random.normal(k1, (B, B, Q, K), dtype=jnp.float32)
    batch_index = jax.random.randint(k2, (B,), 0, N)
    det_labels = jax.random.randint(k3, (B, K), 0, 1000)
    x_mask = jax.random.randint(k4, (B, Q, K), 0, 2).astype(bool)
    confidence = jax.random.uniform(k5, (N, Q, K), dtype=jnp.float32)
    return {"output": output, "batch_index": batch_index, "det_labels": det_labels, "x_mask": x_mask, "confidence": confidence}


def reference(output, batch_index, det_labels, x_mask, confidence):
    b = output.shape[0]
    out = output / TEMPERATURE
    # neg_num is None -> get_negative_mask returns all-ones -> masked_fill is a no-op
    out_r = jnp.transpose(out, (0, 2, 1, 3)).reshape(b, Q, b * K)  # 'b1 b2 q k -> b1 q (b2 k)'
    lsm = log_softmax(out_r, axis=-1)
    lsm4 = jnp.transpose(lsm.reshape(b, Q, b, K), (0, 2, 1, 3))  # 'b1 q (b2 k) -> b1 b2 q k'
    logit = lsm4[jnp.arange(b), jnp.arange(b)]  # einsum 'i i q k -> i q k'
    # gather from confidence memory
    pseudo_target = jnp.take(confidence, batch_index, axis=0)
    pseudo_target = jnp.where(x_mask, pseudo_target, 0.0)
    phrase_mask = x_mask[:, :, 0]
    loss = -(pseudo_target * logit).sum(-1)
    loss = loss.sum() / (phrase_mask.sum() + FEPS)
    loss = loss * BASE_TEMPERATURE
    # no-grad confidence-update path
    conf_logit = jnp.where(x_mask, logit, -FINF)
    conf = jax.nn.softmax(conf_logit, axis=-1)
    conf = jnp.where(x_mask, conf, 0.0)
    # det_labels.repeat(1, q) + rearrange 'b (q k) -> b q k' == broadcast over q
    det = jnp.broadcast_to(det_labels[:, None, :], (b, Q, K))
    temp_conf = jax.nn.one_hot(jnp.argmax(conf, axis=-1), K, dtype=jnp.int32)
    temp_conf = jnp.where(x_mask, temp_conf, 0)
    co_label = (det * temp_conf).max(axis=-1, keepdims=True)
    temp_conf2 = (co_label == det).astype(jnp.float32)
    old_rows = jnp.take(confidence, batch_index, axis=0)
    new_rows = CONF_EMA_M * old_rows + (1.0 - CONF_EMA_M) * temp_conf2
    new_confidence = confidence.at[batch_index].set(new_rows)  # scatter-overwrite into memory
    return (loss, logit, pseudo_target, conf, new_confidence)

if __name__ == "__main__":
    import jax
    _d = setup_inputs()
    print(jax.jit(kernel)(*tuple(_d.values())))

</pallas_src>

<mosaic_0001>
#map = affine_map<(d0, d1) -> (0, 0)>
module attributes {stable_mosaic.version = 14 : i64} {
  func.func @copy_k(%arg0: i32, %arg1: i32, %arg2: memref<512x100000xf32, #tpu.memory_space<hbm>>, %arg3: memref<512x100000xf32, #tpu.memory_space<hbm>>) attributes {dimension_semantics = [#tpu.dimension_semantics<core_parallel>, #tpu.dimension_semantics<subcore_parallel>], iteration_bounds = array<i64: 2, 16>, scalar_prefetch = 0 : i64, scratch_operands = 0 : i64, tpu.core_type = #tpu.core_type<sc_vector_subcore>, window_params = [{transform_indices = #map}, {transform_indices = #map}]} {
    %mul3A = arith.constant 2 : i32
    %mul3A_0 = arith.muli %arg1, %mul3A : i32
    %add3A = arith.addi %mul3A_0, %arg0 : i32
    %mul3A_1 = arith.constant 16 : i32
    %mul3A_2 = arith.muli %add3A, %mul3A_1 : i32
    %mul3A_3 = arith.constant 16 : i32
    %mul3A_4 = arith.muli %add3A, %mul3A_3 : i32
    "tpu.region"() ({
      %run_scoped3A = tpu.sem_alloc : memref<!tpu.dma_semaphore, #tpu.memory_space<semaphore_mem>>
      %dma_start3A = arith.constant 0 : i32
      %dma_start3A_5 = tpu.memref_slice %arg3[%mul3A_4, %dma_start3A] : memref<512x100000xf32, #tpu.memory_space<hbm>> -> memref<16x100000xf32, #tpu.memory_space<hbm>>
      %dma_start3A_6 = arith.constant 0 : i32
      %dma_start3A_7 = tpu.memref_slice %arg2[%mul3A_2, %dma_start3A_6] : memref<512x100000xf32, #tpu.memory_space<hbm>> -> memref<16x100000xf32, #tpu.memory_space<hbm>>
      tpu.enqueue_dma source(%dma_start3A_7 : memref<16x100000xf32, #tpu.memory_space<hbm>>) target(%dma_start3A_5 : memref<16x100000xf32, #tpu.memory_space<hbm>>) target_semaphore(%run_scoped3A : memref<!tpu.dma_semaphore, #tpu.memory_space<semaphore_mem>>)
      %dma_wait3A = arith.constant 0 : i32
      %dma_wait3A_8 = tpu.memref_slice %arg3[%mul3A_4, %dma_wait3A] : memref<512x100000xf32, #tpu.memory_space<hbm>> -> memref<16x100000xf32, #tpu.memory_space<hbm>>
      %dma_wait3A_9 = arith.constant 0 : i32
      %dma_wait3A_10 = tpu.memref_slice %arg2[%mul3A_2, %dma_wait3A_9] : memref<512x100000xf32, #tpu.memory_space<hbm>> -> memref<16x100000xf32, #tpu.memory_space<hbm>>
      tpu.wait_dma2 semaphore(%run_scoped3A : memref<!tpu.dma_semaphore, #tpu.memory_space<semaphore_mem>>) src(%dma_wait3A_10 : memref<16x100000xf32, #tpu.memory_space<hbm>>) dst(%dma_wait3A_8 : memref<16x100000xf32, #tpu.memory_space<hbm>>)
      tpu.yield
    }) : () -> ()
    return
  }
}

module attributes {stable_mosaic.version = 14 : i64} {
  func.func @_logit_kernel(%arg0: i32, %arg1: memref<4x16x32x256xf32, #tpu.memory_space<vmem>>, %arg2: memref<4x16x32xf32, #tpu.memory_space<vmem>>) attributes {dimension_semantics = [#tpu.dimension_semantics<arbitrary>], iteration_bounds = array<i64: 64>, scalar_prefetch = 0 : i64, scratch_operands = 0 : i64, tpu.core_type = #tpu.core_type<tc>, window_params = [{transform_indices = @transform_0, window_bounds = array<i64: 4, 16, 32, 256>}, {transform_indices = @transform_1, window_bounds = array<i64: 4, 16, 32>}]} {
    %iota3A = tpu.iota {dimensions = array<i32: 2>} : vector<16x32x256xi32>
    %get3A = arith.constant 0 : index
    %get3A_0 = arith.constant 0 : index
    %get3A_1 = arith.constant 0 : index
    %get3A_2 = arith.constant 0 : index
    %get3A_3 = vector.load %arg1[%get3A, %get3A_0, %get3A_1, %get3A_2] : memref<4x16x32x256xf32, #tpu.memory_space<vmem>>, vector<1x16x32x256xf32>
    %get3A_4 = vector.shape_cast %get3A_3 : vector<1x16x32x256xf32> to vector<16x32x256xf32>
    %reduce_max3A = arith.constant dense<0xFF800000> : vector<16x32xf32>
    %reduce_max3A_5 = vector.multi_reduction <maximumf>, %get3A_4, %reduce_max3A [2] : vector<16x32x256xf32> to vector<16x32xf32>
    %broadcast_in_dim3A = vector.shape_cast %reduce_max3A_5 : vector<16x32xf32> to vector<16x32x1xf32>
    %reduce_max3A_6 = arith.constant dense<0xFF800000> : vector<16x1xf32>
    %reduce_max3A_7 = vector.multi_reduction <maximumf>, %broadcast_in_dim3A, %reduce_max3A_6 [1] : vector<16x32x1xf32> to vector<16x1xf32>
    %broadcast_in_dim3A_8 = vector.shape_cast %reduce_max3A_7 : vector<16x1xf32> to vector<16x1x1xf32>
    %sub3A = vector.broadcast %broadcast_in_dim3A_8 : vector<16x1x1xf32> to vector<16x32x256xf32>
    %sub3A_9 = arith.subf %get3A_4, %sub3A : vector<16x32x256xf32>
    %mul3A = arith.constant 14.2857141 : f32
    %mul3A_10 = vector.broadcast %mul3A : f32 to vector<16x32x256xf32>
    %mul3A_11 = arith.mulf %sub3A_9, %mul3A_10 : vector<16x32x256xf32>
    %exp3A = math.exp %mul3A_11 : vector<16x32x256xf32>
    %reduce_sum3A = arith.constant dense<0.000000e+00> : vector<16x32xf32>
    %reduce_sum3A_12 = vector.multi_reduction <add>, %exp3A, %reduce_sum3A [2] : vector<16x32x256xf32> to vector<16x32xf32>
    %reduce_sum3A_13 = arith.constant dense<0.000000e+00> : vector<16xf32>
    %reduce_sum3A_14 = vector.multi_reduction <add>, %reduce_sum3A_12, %reduce_sum3A_13 [1] : vector<16x32xf32> to vector<16xf32>
    %broadcast_in_dim3A_15 = vector.shape_cast %reduce_sum3A_14 : vector<16xf32> to vector<16x1xf32>
    %reduce_max3A_16 = arith.constant dense<0xFF800000> : vector<16x32xf32>
    %reduce_max3A_17 = vector.multi_reduction <maximumf>, %get3A_4, %reduce_max3A_16 [2] : vector<16x32x256xf32> to vector<16x32xf32>
    %reduce_max3A_18 = arith.constant dense<0xFF800000> : vector<16xf32>
    %reduce_max3A_19 = vector.multi_reduction <maximumf>, %reduce_max3A_17, %reduce_max3A_18 [1] : vector<16x32xf32> to vector<16xf32>
    %broadcast_in_dim3A_20 = vector.shape_cast %reduce_max3A_19 : vector<16xf32> to vector<16x1xf32>
    %mul3A_21 = arith.constant 14.2857141 : f32
    %mul3A_22 = vector.broadcast %mul3A_21 : f32 to vector<16x1xf32>
    %mul3A_23 = arith.mulf %broadcast_in_dim3A_20, %mul3A_22 : vector<16x1xf32>
    %log3A = math.log %broadcast_in_dim3A_15 : vector<16x1xf32>
    %add3A = arith.addf %mul3A_23, %log3A : vector<16x1xf32>
    %mul3A_24 = arith.constant 4 : i32
    %mul3A_25 = arith.muli %arg0, %mul3A_24 : i32
    %add3A_26 = arith.constant 0 : i32
    %add3A_27 = arith.addi %mul3A_25, %add3A_26 : i32
    %eq3A = vector.broadcast %add3A_27 : i32 to vector<16x32x256xi32>
    %eq3A_28 = arith.cmpi eq, %iota3A, %eq3A : vector<16x32x256xi32>
    %jit3A = arith.constant 0.000000e+00 : f32
    %broadcast_in_dim3A_29 = vector.broadcast %jit3A : f32 to vector<16x32x256xf32>
    %select_n3A = arith.select %eq3A_28, %get3A_4, %broadcast_in_dim3A_29 : vector<16x32x256xi1>, vector<16x32x256xf32>
    %reduce_sum3A_30 = arith.constant dense<0.000000e+00> : vector<16x32xf32>
    %reduce_sum3A_31 = vector.multi_reduction <add>, %select_n3A, %reduce_sum3A_30 [2] : vector<16x32x256xf32> to vector<16x32xf32>
    %mul3A_32 = arith.constant 14.2857141 : f32
    %mul3A_33 = vector.broadcast %mul3A_32 : f32 to vector<16x32xf32>
    %mul3A_34 = arith.mulf %reduce_sum3A_31, %mul3A_33 : vector<16x32xf32>
    %sub3A_35 = vector.broadcast %add3A : vector<16x1xf32> to vector<16x32xf32>
    %sub3A_36 = arith.subf %mul3A_34, %sub3A_35 : vector<16x32xf32>
    %swap3A = arith.constant 0 : index
    %swap3A_37 = arith.constant 0 : index
    %swap3A_38 = arith.constant 0 : index
    %swap3A_39 = vector.load %arg2[%swap3A, %swap3A_37, %swap3A_38] : memref<4x16x32xf32, #tpu.memory_space<vmem>>, vector<1x16x32xf32>
    %swap3A_40 = vector.shape_cast %swap3A_39 : vector<1x16x32xf32> to vector<16x32xf32>
    %swap3A_41 = vector.shape_cast %sub3A_36 : vector<16x32xf32> to vector<1x16x32xf32>
    tpu.vector_store %arg2[%swap3A, %swap3A_37, %swap3A_38], %swap3A_41 {strides = array<i32>} : memref<4x16x32xf32, #tpu.memory_space<vmem>>, vector<1x16x32xf32>,
    %get3A_42 = arith.constant 1 : index
    %get3A_43 = arith.constant 0 : index
    %get3A_44 = arith.constant 0 : index
    %get3A_45 = arith.constant 0 : index
    %get3A_46 = vector.load %arg1[%get3A_42, %get3A_43, %get3A_44, %get3A_45] : memref<4x16x32x256xf32, #tpu.memory_space<vmem>>, vector<1x16x32x256xf32>
    %get3A_47 = vector.shape_cast %get3A_46 : vector<1x16x32x256xf32> to vector<16x32x256xf32>
    %reduce_max3A_48 = arith.constant dense<0xFF800000> : vector<16x32xf32>
    %reduce_max3A_49 = vector.multi_reduction <maximumf>, %get3A_47, %reduce_max3A_48 [2] : vector<16x32x256xf32> to vector<16x32xf32>
    %broadcast_in_dim3A_50 = vector.shape_cast %reduce_max3A_49 : vector<16x32xf32> to vector<16x32x1xf32>
    %reduce_max3A_51 = arith.constant dense<0xFF800000> : vector<16x1xf32>
    %reduce_max3A_52 = vector.multi_reduction <maximumf>, %broadcast_in_dim3A_50, %reduce_max3A_51 [1] : vector<16x32x1xf32> to vector<16x1xf32>
    %broadcast_in_dim3A_53 = vector.shape_cast %reduce_max3A_52 : vector<16x1xf32> to vector<16x1x1xf32>
    %sub3A_54 = vector.broadcast %broadcast_in_dim3A_53 : vector<16x1x1xf32> to vector<16x32x256xf32>
    %sub3A_55 = arith.subf %get3A_47, %sub3A_54 : vector<16x32x256xf32>
    %mul3A_56 = arith.constant 14.2857141 : f32
    %mul3A_57 = vector.broadcast %mul3A_56 : f32 to vector<16x32x256xf32>
    %mul3A_58 = arith.mulf %sub3A_55, %mul3A_57 : vector<16x32x256xf32>
    %exp3A_59 = math.exp %mul3A_58 : vector<16x32x256xf32>
    %reduce_sum3A_60 = arith.constant dense<0.000000e+00> : vector<16x32xf32>
    %reduce_sum3A_61 = vector.multi_reduction <add>, %exp3A_59, %reduce_sum3A_60 [2] : vector<16x32x256xf32> to vector<16x32xf32>
    %reduce_sum3A_62 = arith.constant dense<0.000000e+00> : vector<16xf32>
    %reduce_sum3A_63 = vector.multi_reduction <add>, %reduce_sum3A_61, %reduce_sum3A_62 [1] : vector<16x32xf32> to vector<16xf32>
    %broadcast_in_dim3A_64 = vector.shape_cast %reduce_sum3A_63 : vector<16xf32> to vector<16x1xf32>
    %reduce_max3A_65 = arith.constant dense<0xFF800000> : vector<16x32xf32>
    %reduce_max3A_66 = vector.multi_reduction <maximumf>, %get3A_47, %reduce_max3A_65 [2] : vector<16x32x256xf32> to vector<16x32xf32>
    %reduce_max3A_67 = arith.constant dense<0xFF800000> : vector<16xf32>
    %reduce_max3A_68 = vector.multi_reduction <maximumf>, %reduce_max3A_66, %reduce_max3A_67 [1] : vector<16x32xf32> to vector<16xf32>
    %broadcast_in_dim3A_69 = vector.shape_cast %reduce_max3A_68 : vector<16xf32> to vector<16x1xf32>
    %mul3A_70 = arith.constant 14.2857141 : f32
    %mul3A_71 = vector.broadcast %mul3A_70 : f32 to vector<16x1xf32>
    %mul3A_72 = arith.mulf %broadcast_in_dim3A_69, %mul3A_71 : vector<16x1xf32>
    %log3A_73 = math.log %broadcast_in_dim3A_64 : vector<16x1xf32>
    %add3A_74 = arith.addf %mul3A_72, %log3A_73 : vector<16x1xf32>
    %mul3A_75 = arith.constant 4 : i32
    %mul3A_76 = arith.muli %arg0, %mul3A_75 : i32
    %add3A_77 = arith.constant 1 : i32
    %add3A_78 = arith.addi %mul3A_76, %add3A_77 : i32
    %eq3A_79 = vector.broadcast %add3A_78 : i32 to vector<16x32x256xi32>
    %eq3A_80 = arith.cmpi eq, %iota3A, %eq3A_79 : vector<16x32x256xi32>
    %jit3A_81 = arith.constant 0.000000e+00 : f32
    %broadcast_in_dim3A_82 = vector.broadcast %jit3A_81 : f32 to vector<16x32x256xf32>
    %select_n3A_83 = arith.select %eq3A_80, %get3A_47, %broadcast_in_dim3A_82 : vector<16x32x256xi1>, vector<16x32x256xf32>
    %reduce_sum3A_84 = arith.constant dense<0.000000e+00> : vector<16x32xf32>
    %reduce_sum3A_85 = vector.multi_reduction <add>, %select_n3A_83, %reduce_sum3A_84 [2] : vector<16x32x256xf32> to vector<16x32xf32>
    %mul3A_86 = arith.constant 14.2857141 : f32
    %mul3A_87 = vector.broadcast %mul3A_86 : f32 to vector<16x32xf32>
    %mul3A_88 = arith.mulf %reduce_sum3A_85, %mul3A_87 : vector<16x32xf32>
    %sub3A_89 = vector.broadcast %add3A_74 : vector<16x1xf32> to vector<16x32xf32>
    %sub3A_90 = arith.subf %mul3A_88, %sub3A_89 : vector<16x32xf32>
    %swap3A_91 = arith.constant 1 : index
    %swap3A_92 = arith.constant 0 : index
    %swap3A_93 = arith.constant 0 : index
    %swap3A_94 = vector.load %arg2[%swap3A_91, %swap3A_92, %swap3A_93] : memref<4x16x32xf32, #tpu.memory_space<vmem>>, vector<1x16x32xf32>
    %swap3A_95 = vector.shape_cast %swap3A_94 : vector<1x16x32xf32> to vector<16x32xf32>
    %swap3A_96 = vector.shape_cast %sub3A_90 : vector<16x32xf32> to vector<1x16x32xf32>
    tpu.vector_store %arg2[%swap3A_91, %swap3A_92, %swap3A_93], %swap3A_96 {strides = array<i32>} : memref<4x16x32xf32, #tpu.memory_space<vmem>>, vector<1x16x32xf32>,
    %get3A_97 = arith.constant 2 : index
    %get3A_98 = arith.constant 0 : index
    %get3A_99 = arith.constant 0 : index
    %get3A_100 = arith.constant 0 : index
    %get3A_101 = vector.load %arg1[%get3A_97, %get3A_98, %get3A_99, %get3A_100] : memref<4x16x32x256xf32, #tpu.memory_space<vmem>>, vector<1x16x32x256xf32>
    %get3A_102 = vector.shape_cast %get3A_101 : vector<1x16x32x256xf32> to vector<16x32x256xf32>
    %reduce_max3A_103 = arith.constant dense<0xFF800000> : vector<16x32xf32>
    %reduce_max3A_104 = vector.multi_reduction <maximumf>, %get3A_102, %reduce_max3A_103 [2] : vector<16x32x256xf32> to vector<16x32xf32>
    %broadcast_in_dim3A_105 = vector.shape_cast %reduce_max3A_104 : vector<16x32xf32> to vector<16x32x1xf32>
    %reduce_max3A_106 = arith.constant dense<0xFF800000> : vector<16x1xf32>
    %reduce_max3A_107 = vector.multi_reduction <maximumf>, %broadcast_in_dim3A_105, %reduce_max3A_106 [1] : vector<16x32x1xf32> to vector<16x1xf32>
    %broadcast_in_dim3A_108 = vector.shape_cast %reduce_max3A_107 : vector<16x1xf32> to vector<16x1x1xf32>
    %sub3A_109 = vector.broadcast %broadcast_in_dim3A_108 : vector<16x1x1xf32> to vector<16x32x256xf32>
    %sub3A_110 = arith.subf %get3A_102, %sub3A_109 : vector<16x32x256xf32>
    %mul3A_111 = arith.constant 14.2857141 : f32
    %mul3A_112 = vector.broadcast %mul3A_111 : f32 to vector<16x32x256xf32>
    %mul3A_113 = arith.mulf %sub3A_110, %mul3A_112 : vector<16x32x256xf32>
    %exp3A_114 = math.exp %mul3A_113 : vector<16x32x256xf32>
    %reduce_sum3A_115 = arith.constant dense<0.000000e+00> : vector<16x32xf32>
    %reduce_sum3A_116 = vector.multi_reduction <add>, %exp3A_114, %reduce_sum3A_115 [2] : vector<16x32x256xf32> to vector<16x32xf32>
    %reduce_sum3A_117 = arith.constant dense<0.000000e+00> : vector<16xf32>
    %reduce_sum3A_118 = vector.multi_reduction <add>, %reduce_sum3A_116, %reduce_sum3A_117 [1] : vector<16x32xf32> to vector<16xf32>
    %broadcast_in_dim3A_119 = vector.shape_cast %reduce_sum3A_118 : vector<16xf32> to vector<16x1xf32>
    %reduce_max3A_120 = arith.constant dense<0xFF800000> : vector<16x32xf32>
    %reduce_max3A_121 = vector.multi_reduction <maximumf>, %get3A_102, %reduce_max3A_120 [2] : vector<16x32x256xf32> to vector<16x32xf32>
    %reduce_max3A_122 = arith.constant dense<0xFF800000> : vector<16xf32>
    %reduce_max3A_123 = vector.multi_reduction <maximumf>, %reduce_max3A_121, %reduce_max3A_122 [1] : vector<16x32xf32> to vector<16xf32>
    %broadcast_in_dim3A_124 = vector.shape_cast %reduce_max3A_123 : vector<16xf32> to vector<16x1xf32>
    %mul3A_125 = arith.constant 14.2857141 : f32
    %mul3A_126 = vector.broadcast %mul3A_125 : f32 to vector<16x1xf32>
    %mul3A_127 = arith.mulf %broadcast_in_dim3A_124, %mul3A_126 : vector<16x1xf32>
    %log3A_128 = math.log %broadcast_in_dim3A_119 : vector<16x1xf32>
    %add3A_129 = arith.addf %mul3A_127, %log3A_128 : vector<16x1xf32>
    %mul3A_130 = arith.constant 4 : i32
    %mul3A_131 = arith.muli %arg0, %mul3A_130 : i32
    %add3A_132 = arith.constant 2 : i32
    %add3A_133 = arith.addi %mul3A_131, %add3A_132 : i32
    %eq3A_134 = vector.broadcast %add3A_133 : i32 to vector<16x32x256xi32>
    %eq3A_135 = arith.cmpi eq, %iota3A, %eq3A_134 : vector<16x32x256xi32>
    %jit3A_136 = arith.constant 0.000000e+00 : f32
    %broadcast_in_dim3A_137 = vector.broadcast %jit3A_136 : f32 to vector<16x32x256xf32>
    %select_n3A_138 = arith.select %eq3A_135, %get3A_102, %broadcast_in_dim3A_137 : vector<16x32x256xi1>, vector<16x32x256xf32>
    %reduce_sum3A_139 = arith.constant dense<0.000000e+00> : vector<16x32xf32>
    %reduce_sum3A_140 = vector.multi_reduction <add>, %select_n3A_138, %reduce_sum3A_139 [2] : vector<16x32x256xf32> to vector<16x32xf32>
    %mul3A_141 = arith.constant 14.2857141 : f32
    %mul3A_142 = vector.broadcast %mul3A_141 : f32 to vector<16x32xf32>
    %mul3A_143 = arith.mulf %reduce_sum3A_140, %mul3A_142 : vector<16x32xf32>
    %sub3A_144 = vector.broadcast %add3A_129 : vector<16x1xf32> to vector<16x32xf32>
    %sub3A_145 = arith.subf %mul3A_143, %sub3A_144 : vector<16x32xf32>
    %swap3A_146 = arith.constant 2 : index
    %swap3A_147 = arith.constant 0 : index
    %swap3A_148 = arith.constant 0 : index
    %swap3A_149 = vector.load %arg2[%swap3A_146, %swap3A_147, %swap3A_148] : memref<4x16x32xf32, #tpu.memory_space<vmem>>, vector<1x16x32xf32>
    %swap3A_150 = vector.shape_cast %swap3A_149 : vector<1x16x32xf32> to vector<16x32xf32>
    %swap3A_151 = vector.shape_cast %sub3A_145 : vector<16x32xf32> to vector<1x16x32xf32>
    tpu.vector_store %arg2[%swap3A_146, %swap3A_147, %swap3A_148], %swap3A_151 {strides = array<i32>} : memref<4x16x32xf32, #tpu.memory_space<vmem>>, vector<1x16x32xf32>,
    %get3A_152 = arith.constant 3 : index
    %get3A_153 = arith.constant 0 : index
    %get3A_154 = arith.constant 0 : index
    %get3A_155 = arith.constant 0 : index
    %get3A_156 = vector.load %arg1[%get3A_152, %get3A_153, %get3A_154, %get3A_155] : memref<4x16x32x256xf32, #tpu.memory_space<vmem>>, vector<1x16x32x256xf32>
    %get3A_157 = vector.shape_cast %get3A_156 : vector<1x16x32x256xf32> to vector<16x32x256xf32>
    %reduce_max3A_158 = arith.constant dense<0xFF800000> : vector<16x32xf32>
    %reduce_max3A_159 = vector.multi_reduction <maximumf>, %get3A_157, %reduce_max3A_158 [2] : vector<16x32x256xf32> to vector<16x32xf32>
    %broadcast_in_dim3A_160 = vector.shape_cast %reduce_max3A_159 : vector<16x32xf32> to vector<16x32x1xf32>
    %reduce_max3A_161 = arith.constant dense<0xFF800000> : vector<16x1xf32>
    %reduce_max3A_162 = vector.multi_reduction <maximumf>, %broadcast_in_dim3A_160, %reduce_max3A_161 [1] : vector<16x32x1xf32> to vector<16x1xf32>
    %broadcast_in_dim3A_163 = vector.shape_cast %reduce_max3A_162 : vector<16x1xf32> to vector<16x1x1xf32>
    %sub3A_164 = vector.broadcast %broadcast_in_dim3A_163 : vector<16x1x1xf32> to vector<16x32x256xf32>
    %sub3A_165 = arith.subf %get3A_157, %sub3A_164 : vector<16x32x256xf32>
    %mul3A_166 = arith.constant 14.2857141 : f32
    %mul3A_167 = vector.broadcast %mul3A_166 : f32 to vector<16x32x256xf32>
    %mul3A_168 = arith.mulf %sub3A_165, %mul3A_167 : vector<16x32x256xf32>
    %exp3A_169 = math.exp %mul3A_168 : vector<16x32x256xf32>
    %reduce_sum3A_170 = arith.constant dense<0.000000e+00> : vector<16x32xf32>
    %reduce_sum3A_171 = vector.multi_reduction <add>, %exp3A_169, %reduce_sum3A_170 [2] : vector<16x32x256xf32> to vector<16x32xf32>
    %reduce_sum3A_172 = arith.constant dense<0.000000e+00> : vector<16xf32>
    %reduce_sum3A_173 = vector.multi_reduction <add>, %reduce_sum3A_171, %reduce_sum3A_172 [1] : vector<16x32xf32> to vector<16xf32>
    %broadcast_in_dim3A_174 = vector.shape_cast %reduce_sum3A_173 : vector<16xf32> to vector<16x1xf32>
    %reduce_max3A_175 = arith.constant dense<0xFF800000> : vector<16x32xf32>
    %reduce_max3A_176 = vector.multi_reduction <maximumf>, %get3A_157, %reduce_max3A_175 [2] : vector<16x32x256xf32> to vector<16x32xf32>
    %reduce_max3A_177 = arith.constant dense<0xFF800000> : vector<16xf32>
    %reduce_max3A_178 = vector.multi_reduction <maximumf>, %reduce_max3A_176, %reduce_max3A_177 [1] : vector<16x32xf32> to vector<16xf32>
    %broadcast_in_dim3A_179 = vector.shape_cast %reduce_max3A_178 : vector<16xf32> to vector<16x1xf32>
    %mul3A_180 = arith.constant 14.2857141 : f32
    %mul3A_181 = vector.broadcast %mul3A_180 : f32 to vector<16x1xf32>
    %mul3A_182 = arith.mulf %broadcast_in_dim3A_179, %mul3A_181 : vector<16x1xf32>
    %log3A_183 = math.log %broadcast_in_dim3A_174 : vector<16x1xf32>
    %add3A_184 = arith.addf %mul3A_182, %log3A_183 : vector<16x1xf32>
    %mul3A_185 = arith.constant 4 : i32
    %mul3A_186 = arith.muli %arg0, %mul3A_185 : i32
    %add3A_187 = arith.constant 3 : i32
    %add3A_188 = arith.addi %mul3A_186, %add3A_187 : i32
    %eq3A_189 = vector.broadcast %add3A_188 : i32 to vector<16x32x256xi32>
    %eq3A_190 = arith.cmpi eq, %iota3A, %eq3A_189 : vector<16x32x256xi32>
    %jit3A_191 = arith.constant 0.000000e+00 : f32
    %broadcast_in_dim3A_192 = vector.broadcast %jit3A_191 : f32 to vector<16x32x256xf32>
    %select_n3A_193 = arith.select %eq3A_190, %get3A_157, %broadcast_in_dim3A_192 : vector<16x32x256xi1>, vector<16x32x256xf32>
    %reduce_sum3A_194 = arith.constant dense<0.000000e+00> : vector<16x32xf32>
    %reduce_sum3A_195 = vector.multi_reduction <add>, %select_n3A_193, %reduce_sum3A_194 [2] : vector<16x32x256xf32> to vector<16x32xf32>
    %mul3A_196 = arith.constant 14.2857141 : f32
    %mul3A_197 = vector.broadcast %mul3A_196 : f32 to vector<16x32xf32>
    %mul3A_198 = arith.mulf %reduce_sum3A_195, %mul3A_197 : vector<16x32xf32>
    %sub3A_199 = vector.broadcast %add3A_184 : vector<16x1xf32> to vector<16x32xf32>
    %sub3A_200 = arith.subf %mul3A_198, %sub3A_199 : vector<16x32xf32>
    %swap3A_201 = arith.constant 3 : index
    %swap3A_202 = arith.constant 0 : index
    %swap3A_203 = arith.constant 0 : index
    %swap3A_204 = vector.load %arg2[%swap3A_201, %swap3A_202, %swap3A_203] : memref<4x16x32xf32, #tpu.memory_space<vmem>>, vector<1x16x32xf32>
    %swap3A_205 = vector.shape_cast %swap3A_204 : vector<1x16x32xf32> to vector<16x32xf32>
    %swap3A_206 = vector.shape_cast %sub3A_200 : vector<16x32xf32> to vector<1x16x32xf32>
    tpu.vector_store %arg2[%swap3A_201, %swap3A_202, %swap3A_203], %swap3A_206 {strides = array<i32>} : memref<4x16x32xf32, #tpu.memory_space<vmem>>, vector<1x16x32xf32>,
    return
  }
  func.func @transform_0(%arg0: i32) -> (i32, i32, i32, i32) {
    %c0_i32 = arith.constant 0 : i32
    %c0_i32_0 = arith.constant 0 : i32
    %c0_i32_1 = arith.constant 0 : i32
    %c0_i32_2 = arith.constant 0 : i32
    return %arg0, %c0_i32, %c0_i32_0, %c0_i32_1 : i32, i32, i32, i32
  }
  func.func @transform_1(%arg0: i32) -> (i32, i32, i32) {
    %c0_i32 = arith.constant 0 : i32
    %c0_i32_0 = arith.constant 0 : i32
    %c0_i32_1 = arith.constant 0 : i32
    return %arg0, %c0_i32, %c0_i32_0 : i32, i32, i32
  }
}

module attributes {stable_mosaic.version = 14 : i64} {
  func.func @_math_kernel(%arg0: memref<16x32x256xf32, #tpu.memory_space<vmem>>, %arg1: memref<16x32x256xf32, #tpu.memory_space<vmem>>, %arg2: memref<32x256xi32, #tpu.memory_space<vmem>>, %arg3: memref<16x32x256xf32, #tpu.memory_space<vmem>>, %arg4: memref<16x32x256xf32, #tpu.memory_space<vmem>>) attributes {dimension_semantics = [], scalar_prefetch = 0 : i64, scratch_operands = 0 : i64, tpu.core_type = #tpu.core_type<tc>} {
    %get3A = arith.constant 0 : index
    %get3A_0 = arith.constant 0 : index
    %get3A_1 = arith.constant 0 : index
    %get3A_2 = vector.load %arg0[%get3A, %get3A_0, %get3A_1] : memref<16x32x256xf32, #tpu.memory_space<vmem>>, vector<16x32x256xf32>
    %get3A_3 = arith.constant 0 : index
    %get3A_4 = arith.constant 0 : index
    %get3A_5 = arith.constant 0 : index
    %get3A_6 = vector.load %arg1[%get3A_3, %get3A_4, %get3A_5] : memref<16x32x256xf32, #tpu.memory_space<vmem>>, vector<16x32x256xf32>
    %ne3A = arith.constant 0.000000e+00 : f32
    %ne3A_7 = vector.broadcast %ne3A : f32 to vector<16x32x256xf32>
    %ne3A_8 = arith.cmpf one, %get3A_6, %ne3A_7 : vector<16x32x256xf32>
    %get3A_9 = arith.constant 0 : index
    %get3A_10 = arith.constant 0 : index
    %get3A_11 = vector.load %arg2[%get3A_9, %get3A_10] : memref<32x256xi32, #tpu.memory_space<vmem>>, vector<32x256xi32>
    %broadcast_in_dim3A = vector.shape_cast %get3A_11 : vector<32x256xi32> to vector<1x32x256xi32>
    %broadcast_in_dim3A_12 = vector.shape_cast %broadcast_in_dim3A : vector<1x32x256xi32> to vector<1x32x256xi32>
    %broadcast_in_dim3A_13 = vector.broadcast %broadcast_in_dim3A_12 : vector<1x32x256xi32> to vector<16x32x256xi32>
    %jit3A = arith.constant -3.40282347E+38 : f32
    %broadcast_in_dim3A_14 = vector.broadcast %jit3A : f32 to vector<16x32x256xf32>
    %select_n3A = arith.select %ne3A_8, %get3A_2, %broadcast_in_dim3A_14 : vector<16x32x256xi1>, vector<16x32x256xf32>
    %reduce_max3A = arith.constant dense<0xFF800000> : vector<16x256xf32>
    %reduce_max3A_15 = vector.multi_reduction <maximumf>, %select_n3A, %reduce_max3A [1] : vector<16x32x256xf32> to vector<16x256xf32>
    %broadcast_in_dim3A_16 = vector.shape_cast %reduce_max3A_15 : vector<16x256xf32> to vector<16x1x256xf32>
    %sub3A = vector.broadcast %broadcast_in_dim3A_16 : vector<16x1x256xf32> to vector<16x32x256xf32>
    %sub3A_17 = arith.subf %select_n3A, %sub3A : vector<16x32x256xf32>
    %exp3A = math.exp %sub3A_17 : vector<16x32x256xf32>
    %reduce_sum3A = arith.constant dense<0.000000e+00> : vector<16x256xf32>
    %reduce_sum3A_18 = vector.multi_reduction <add>, %exp3A, %reduce_sum3A [1] : vector<16x32x256xf32> to vector<16x256xf32>
    %broadcast_in_dim3A_19 = vector.shape_cast %reduce_sum3A_18 : vector<16x256xf32> to vector<16x1x256xf32>
    %div3A = vector.broadcast %broadcast_in_dim3A_19 : vector<16x1x256xf32> to vector<16x32x256xf32>
    %div3A_20 = arith.divf %exp3A, %div3A : vector<16x32x256xf32>
    %jit3A_21 = arith.constant 0.000000e+00 : f32
    %broadcast_in_dim3A_22 = vector.broadcast %jit3A_21 : f32 to vector<16x32x256xf32>
    %select_n3A_23 = arith.select %ne3A_8, %div3A_20, %broadcast_in_dim3A_22 : vector<16x32x256xi1>, vector<16x32x256xf32>
    %swap3A = arith.constant 0 : index
    %swap3A_24 = arith.constant 0 : index
    %swap3A_25 = arith.constant 0 : index
    %swap3A_26 = vector.load %arg3[%swap3A, %swap3A_24, %swap3A_25] : memref<16x32x256xf32, #tpu.memory_space<vmem>>, vector<16x32x256xf32>
    tpu.vector_store %arg3[%swap3A, %swap3A_24, %swap3A_25], %select_n3A_23 {strides = array<i32>} : memref<16x32x256xf32, #tpu.memory_space<vmem>>, vector<16x32x256xf32>,
    %iota3A = tpu.iota {dimensions = array<i32: 1>} : vector<16x32x256xi32>
    %reduce_max3A_27 = arith.constant dense<0xFF800000> : vector<16x256xf32>
    %reduce_max3A_28 = vector.multi_reduction <maximumf>, %select_n3A_23, %reduce_max3A_27 [1] : vector<16x32x256xf32> to vector<16x256xf32>
    %broadcast_in_dim3A_29 = vector.shape_cast %reduce_max3A_28 : vector<16x256xf32> to vector<16x1x256xf32>
    %eq3A = vector.broadcast %broadcast_in_dim3A_29 : vector<16x1x256xf32> to vector<16x32x256xf32>
    %eq3A_30 = arith.cmpf oeq, %select_n3A_23, %eq3A : vector<16x32x256xf32>
    %jit3A_31 = arith.constant 32 : i32
    %broadcast_in_dim3A_32 = vector.broadcast %jit3A_31 : i32 to vector<16x32x256xi32>
    %select_n3A_33 = arith.select %eq3A_30, %iota3A, %broadcast_in_dim3A_32 : vector<16x32x256xi1>, vector<16x32x256xi32>
    %reduce_min3A = arith.constant dense<2147483647> : vector<16x256xi32>
    %reduce_min3A_34 = vector.multi_reduction <minsi>, %select_n3A_33, %reduce_min3A [1] : vector<16x32x256xi32> to vector<16x256xi32>
    %broadcast_in_dim3A_35 = vector.shape_cast %reduce_min3A_34 : vector<16x256xi32> to vector<16x1x256xi32>
    %eq3A_36 = vector.broadcast %broadcast_in_dim3A_35 : vector<16x1x256xi32> to vector<16x32x256xi32>
    %eq3A_37 = arith.cmpi eq, %iota3A, %eq3A_36 : vector<16x32x256xi32>
    %convert_element_type3A = arith.extui %eq3A_37 : vector<16x32x256xi1> to vector<16x32x256xi32>
    %jit3A_38 = arith.constant 0 : i32
    %broadcast_in_dim3A_39 = vector.broadcast %jit3A_38 : i32 to vector<16x32x256xi32>
    %select_n3A_40 = arith.select %ne3A_8, %convert_element_type3A, %broadcast_in_dim3A_39 : vector<16x32x256xi1>, vector<16x32x256xi32>
    %mul3A = arith.muli %broadcast_in_dim3A_13, %select_n3A_40 : vector<16x32x256xi32>
    %reduce_max3A_41 = arith.constant dense<-2147483648> : vector<16x256xi32>
    %reduce_max3A_42 = vector.multi_reduction <maxsi>, %mul3A, %reduce_max3A_41 [1] : vector<16x32x256xi32> to vector<16x256xi32>
    %broadcast_in_dim3A_43 = vector.shape_cast %reduce_max3A_42 : vector<16x256xi32> to vector<16x1x256xi32>
    %eq3A_44 = vector.broadcast %broadcast_in_dim3A_43 : vector<16x1x256xi32> to vector<16x32x256xi32>
    %eq3A_45 = arith.cmpi eq, %eq3A_44, %broadcast_in_dim3A_13 : vector<16x32x256xi32>
    %convert_element_type3A_46 = arith.extui %eq3A_45 : vector<16x32x256xi1> to vector<16x32x256xi32>
    %convert_element_type3A_47 = arith.sitofp %convert_element_type3A_46 : vector<16x32x256xi32> to vector<16x32x256xf32>
    %swap3A_48 = arith.constant 0 : index
    %swap3A_49 = arith.constant 0 : index
    %swap3A_50 = arith.constant 0 : index
    %swap3A_51 = vector.load %arg4[%swap3A_48, %swap3A_49, %swap3A_50] : memref<16x32x256xf32, #tpu.memory_space<vmem>>, vector<16x32x256xf32>
    tpu.vector_store %arg4[%swap3A_48, %swap3A_49, %swap3A_50], %convert_element_type3A_47 {strides = array<i32>} : memref<16x32x256xf32, #tpu.memory_space<vmem>>, vector<16x32x256xf32>,
    return
  }
}

module attributes {stable_mosaic.version = 14 : i64} {
  func.func @_bank_kernel(%arg0: i32, %arg1: memref<256xi32, #tpu.memory_space<smem>>, %arg2: memref<256xi32, #tpu.memory_space<smem>>, %arg3: memref<256xi32, #tpu.memory_space<smem>>, %arg4: memref<256xi32, #tpu.memory_space<smem>>, %arg5: memref<16x32x128xf32, #tpu.memory_space<vmem>>, %arg6: memref<16x32x128xf32, #tpu.memory_space<vmem>>, %arg7: memref<1x16x32xf32, #tpu.memory_space<vmem>>, %arg8: memref<1x16x32xf32, #tpu.memory_space<vmem>>, %arg9: memref<16x32x128xf32, #tpu.memory_space<vmem>>, %arg10: memref<1x16x32xf32, #tpu.memory_space<vmem>>, %arg11: memref<1x1xf32, #tpu.memory_space<smem>>, %arg12: memref<1x1xf32, #tpu.memory_space<smem>>, %arg13: memref<1x1xf32, #tpu.memory_space<smem>>) attributes {dimension_semantics = [#tpu.dimension_semantics<arbitrary>], iteration_bounds = array<i64: 256>, scalar_prefetch = 4 : i64, scratch_operands = 2 : i64, tpu.core_type = #tpu.core_type<tc>, window_params = [{transform_indices = @transform_0, window_bounds = array<i64: 16, 32, 128>}, {transform_indices = @transform_1, window_bounds = array<i64: 16, 32, 128>}, {transform_indices = @transform_2, window_bounds = array<i64: 1, 16, 32>}, {transform_indices = @transform_3, window_bounds = array<i64: 1, 16, 32>}, {transform_indices = @transform_4, window_bounds = array<i64: 16, 32, 128>}, {transform_indices = @transform_5, window_bounds = array<i64: 1, 16, 32>}, {transform_indices = @transform_6, window_bounds = array<i64: 1, 1>}]} {
    %get3A = arith.index_cast %arg0 : i32 to index
    %get3A_0 = memref.load %arg2[%get3A] : memref<256xi32, #tpu.memory_space<smem>>
    %get3A_1 = arith.index_cast %arg0 : i32 to index
    %get3A_2 = memref.load %arg3[%get3A_1] : memref<256xi32, #tpu.memory_space<smem>>
    %eq3A = arith.constant 0 : i32
    %eq3A_3 = arith.cmpi eq, %arg0, %eq3A : i32
    %convert_element_type3A = arith.extui %eq3A_3 : i1 to i32
    %cond3A = arith.constant 0 : i32
    %cond3A_4 = arith.cmpi ne, %convert_element_type3A, %cond3A : i32
    scf.if %cond3A_4 {
      %swap3A_123 = arith.constant 0.000000e+00 : f32
      %swap3A_124 = arith.constant 0 : index
      %swap3A_125 = arith.constant 0 : index
      %swap3A_126 = memref.load %arg12[%swap3A_124, %swap3A_125] : memref<1x1xf32, #tpu.memory_space<smem>>
      memref.store %swap3A_123, %arg12[%swap3A_124, %swap3A_125] : memref<1x1xf32, #tpu.memory_space<smem>>
      %swap3A_127 = arith.constant 0.000000e+00 : f32
      %swap3A_128 = arith.constant 0 : index
      %swap3A_129 = arith.constant 0 : index
      %swap3A_130 = memref.load %arg13[%swap3A_128, %swap3A_129] : memref<1x1xf32, #tpu.memory_space<smem>>
      memref.store %swap3A_127, %arg13[%swap3A_128, %swap3A_129] : memref<1x1xf32, #tpu.memory_space<smem>>
    } else {
    }
    %get3A_5 = arith.constant 0 : index
    %get3A_6 = arith.constant 0 : index
    %get3A_7 = arith.constant 0 : index
    %get3A_8 = vector.load %arg5[%get3A_5, %get3A_6, %get3A_7] : memref<16x32x128xf32, #tpu.memory_space<vmem>>, vector<16x32x128xf32>
    %iota3A = tpu.iota {dimensions = array<i32: 2>} : vector<16x32x128xi32>
    %eq3A_9 = vector.broadcast %get3A_0 : i32 to vector<16x32x128xi32>
    %eq3A_10 = arith.cmpi eq, %iota3A, %eq3A_9 : vector<16x32x128xi32>
    %jit3A = arith.constant 0.000000e+00 : f32
    %broadcast_in_dim3A = vector.broadcast %jit3A : f32 to vector<16x32x128xf32>
    %select_n3A = arith.select %eq3A_10, %get3A_8, %broadcast_in_dim3A : vector<16x32x128xi1>, vector<16x32x128xf32>
    %reduce_sum3A = arith.constant dense<0.000000e+00> : vector<16x32xf32>
    %reduce_sum3A_11 = vector.multi_reduction <add>, %select_n3A, %reduce_sum3A [2] : vector<16x32x128xf32> to vector<16x32xf32>
    %get3A_12 = arith.constant 0 : index
    %get3A_13 = arith.constant 0 : index
    %get3A_14 = arith.constant 0 : index
    %get3A_15 = vector.load %arg8[%get3A_12, %get3A_13, %get3A_14] : memref<1x16x32xf32, #tpu.memory_space<vmem>>, vector<1x16x32xf32>
    %get3A_16 = vector.shape_cast %get3A_15 : vector<1x16x32xf32> to vector<16x32xf32>
    %get3A_17 = arith.constant 0 : index
    %get3A_18 = arith.constant 0 : index
    %get3A_19 = arith.constant 0 : index
    %get3A_20 = vector.load %arg7[%get3A_17, %get3A_18, %get3A_19] : memref<1x16x32xf32, #tpu.memory_space<vmem>>, vector<1x16x32xf32>
    %get3A_21 = vector.shape_cast %get3A_20 : vector<1x16x32xf32> to vector<16x32xf32>
    %ne3A = arith.constant 0.000000e+00 : f32
    %ne3A_22 = vector.broadcast %ne3A : f32 to vector<16x32xf32>
    %ne3A_23 = arith.cmpf one, %get3A_16, %ne3A_22 : vector<16x32xf32>
    %jit3A_24 = arith.constant 0.000000e+00 : f32
    %broadcast_in_dim3A_25 = vector.broadcast %jit3A_24 : f32 to vector<16x32xf32>
    %select_n3A_26 = arith.select %ne3A_23, %reduce_sum3A_11, %broadcast_in_dim3A_25 : vector<16x32xi1>, vector<16x32xf32>
    %swap3A = arith.constant 0 : index
    %swap3A_27 = arith.constant 0 : index
    %swap3A_28 = arith.constant 0 : index
    %swap3A_29 = vector.load %arg10[%swap3A, %swap3A_27, %swap3A_28] : memref<1x16x32xf32, #tpu.memory_space<vmem>>, vector<1x16x32xf32>
    %swap3A_30 = vector.shape_cast %swap3A_29 : vector<1x16x32xf32> to vector<16x32xf32>
    %swap3A_31 = vector.shape_cast %select_n3A_26 : vector<16x32xf32> to vector<1x16x32xf32>
    tpu.vector_store %arg10[%swap3A, %swap3A_27, %swap3A_28], %swap3A_31 {strides = array<i32>} : memref<1x16x32xf32, #tpu.memory_space<vmem>>, vector<1x16x32xf32>,
    %get3A_32 = arith.constant 0 : index
    %get3A_33 = arith.constant 0 : index
    %get3A_34 = memref.load %arg12[%get3A_32, %get3A_33] : memref<1x1xf32, #tpu.memory_space<smem>>
    %mul3A = arith.mulf %select_n3A_26, %get3A_21 : vector<16x32xf32>
    %reduce_sum3A_35 = vector.shape_cast %mul3A : vector<16x32xf32> to vector<1x16x32xf32>
    %reduce_sum3A_36 = arith.constant dense<0.000000e+00> : vector<1xf32>
    %reduce_sum3A_37 = vector.multi_reduction <add>, %reduce_sum3A_35, %reduce_sum3A_36 [1, 2] : vector<1x16x32xf32> to vector<1xf32>
    %reduce_sum3A_38 = vector.shape_cast %reduce_sum3A_37 : vector<1xf32> to vector<1x1x1xf32>
    %reduce_sum3A_39 = vector.extract %reduce_sum3A_38[0, 0, 0] : f32 from vector<1x1x1xf32>
    %add3A = arith.addf %get3A_34, %reduce_sum3A_39 : f32
    %swap3A_40 = arith.constant 0 : index
    %swap3A_41 = arith.constant 0 : index
    %swap3A_42 = memref.load %arg12[%swap3A_40, %swap3A_41] : memref<1x1xf32, #tpu.memory_space<smem>>
    memref.store %add3A, %arg12[%swap3A_40, %swap3A_41] : memref<1x1xf32, #tpu.memory_space<smem>>
    %get3A_43 = arith.constant 0 : index
    %get3A_44 = arith.constant 0 : index
    %get3A_45 = memref.load %arg13[%get3A_43, %get3A_44] : memref<1x1xf32, #tpu.memory_space<smem>>
    %slice3A = vector.extract_strided_slice %get3A_16 {offsets = [0, 0], sizes = [16, 1], strides = [1, 1]} : vector<16x32xf32> to vector<16x1xf32>
    %reduce_sum3A_46 = vector.shape_cast %slice3A : vector<16x1xf32> to vector<1x16x1xf32>
    %reduce_sum3A_47 = arith.constant dense<0.000000e+00> : vector<1xf32>
    %reduce_sum3A_48 = vector.multi_reduction <add>, %reduce_sum3A_46, %reduce_sum3A_47 [1, 2] : vector<1x16x1xf32> to vector<1xf32>
    %reduce_sum3A_49 = vector.shape_cast %reduce_sum3A_48 : vector<1xf32> to vector<1x1x1xf32>
    %reduce_sum3A_50 = vector.extract %reduce_sum3A_49[0, 0, 0] : f32 from vector<1x1x1xf32>
    %add3A_51 = arith.addf %get3A_45, %reduce_sum3A_50 : f32
    %swap3A_52 = arith.constant 0 : index
    %swap3A_53 = arith.constant 0 : index
    %swap3A_54 = memref.load %arg13[%swap3A_52, %swap3A_53] : memref<1x1xf32, #tpu.memory_space<smem>>
    memref.store %add3A_51, %arg13[%swap3A_52, %swap3A_53] : memref<1x1xf32, #tpu.memory_space<smem>>
    %jit3A_55 = arith.constant 128 : i32
    %eq3A_56 = arith.constant 0 : i32
    %eq3A_57 = arith.cmpi eq, %jit3A_55, %eq3A_56 : i32
    %jit3A_58 = arith.constant 1 : i32
    %select_n3A_59 = arith.select %eq3A_57, %jit3A_58, %jit3A_55 : i32
    %rem3A = arith.remsi %get3A_2, %select_n3A_59 : i32
    %ne3A_60 = arith.constant 0 : i32
    %ne3A_61 = arith.cmpi ne, %rem3A, %ne3A_60 : i32
    %lt3A = arith.constant 0 : i32
    %lt3A_62 = arith.cmpi slt, %rem3A, %lt3A : i32
    %lt3A_63 = arith.constant 0 : i32
    %lt3A_64 = arith.cmpi slt, %select_n3A_59, %lt3A_63 : i32
    %ne3A_65 = arith.xori %lt3A_62, %lt3A_64 : i1
    %and3A = arith.andi %ne3A_65, %ne3A_61 : i1
    %add3A_66 = arith.addi %rem3A, %select_n3A_59 : i32
    %select_n3A_67 = arith.select %and3A, %add3A_66, %rem3A : i32
    %eq3A_68 = vector.broadcast %select_n3A_67 : i32 to vector<16x32x128xi32>
    %eq3A_69 = arith.cmpi eq, %iota3A, %eq3A_68 : vector<16x32x128xi32>
    %get3A_70 = arith.constant 0 : index
    %get3A_71 = arith.constant 0 : index
    %get3A_72 = arith.constant 0 : index
    %get3A_73 = vector.load %arg6[%get3A_70, %get3A_71, %get3A_72] : memref<16x32x128xf32, #tpu.memory_space<vmem>>, vector<16x32x128xf32>
    %jit3A_74 = arith.constant 0.000000e+00 : f32
    %broadcast_in_dim3A_75 = vector.broadcast %jit3A_74 : f32 to vector<16x32x128xf32>
    %select_n3A_76 = arith.select %eq3A_69, %get3A_73, %broadcast_in_dim3A_75 : vector<16x32x128xi1>, vector<16x32x128xf32>
    %sub3A = arith.subi %get3A_0, %select_n3A_67 : i32
    %jit3A_77 = arith.constant 128 : i32
    %eq3A_78 = arith.constant 0 : i32
    %eq3A_79 = arith.cmpi eq, %jit3A_77, %eq3A_78 : i32
    %jit3A_80 = arith.constant 1 : i32
    %select_n3A_81 = arith.select %eq3A_79, %jit3A_80, %jit3A_77 : i32
    %rem3A_82 = arith.remsi %sub3A, %select_n3A_81 : i32
    %ne3A_83 = arith.constant 0 : i32
    %ne3A_84 = arith.cmpi ne, %rem3A_82, %ne3A_83 : i32
    %lt3A_85 = arith.constant 0 : i32
    %lt3A_86 = arith.cmpi slt, %rem3A_82, %lt3A_85 : i32
    %lt3A_87 = arith.constant 0 : i32
    %lt3A_88 = arith.cmpi slt, %select_n3A_81, %lt3A_87 : i32
    %ne3A_89 = arith.xori %lt3A_86, %lt3A_88 : i1
    %and3A_90 = arith.andi %ne3A_89, %ne3A_84 : i1
    %add3A_91 = arith.addi %rem3A_82, %select_n3A_81 : i32
    %select_n3A_92 = arith.select %and3A_90, %add3A_91, %rem3A_82 : i32
    %roll3A = tpu.dynamic_rotate %select_n3A_76 by %select_n3A_92 dim 2 : vector<16x32x128xf32>, i32 -> vector<16x32x128xf32>
    %get3A_93 = arith.index_cast %arg0 : i32 to index
    %get3A_94 = memref.load %arg4[%get3A_93] : memref<256xi32, #tpu.memory_space<smem>>
    %eq3A_95 = arith.constant 1 : i32
    %eq3A_96 = arith.cmpi eq, %get3A_94, %eq3A_95 : i32
    %convert_element_type3A_97 = arith.extui %eq3A_96 : i1 to i32
    %cond3A_98 = arith.constant 0 : i32
    %cond3A_99 = arith.cmpi ne, %convert_element_type3A_97, %cond3A_98 : i32
    scf.if %cond3A_99 {
      %swap3A_123 = arith.constant 0 : index
      %swap3A_124 = arith.constant 0 : index
      %swap3A_125 = arith.constant 0 : index
      %swap3A_126 = vector.load %arg9[%swap3A_123, %swap3A_124, %swap3A_125] : memref<16x32x128xf32, #tpu.memory_space<vmem>>, vector<16x32x128xf32>
      tpu.vector_store %arg9[%swap3A_123, %swap3A_124, %swap3A_125], %get3A_8 {strides = array<i32>} : memref<16x32x128xf32, #tpu.memory_space<vmem>>, vector<16x32x128xf32>,
    } else {
    }
    %get3A_100 = arith.constant 0 : index
    %get3A_101 = arith.constant 0 : index
    %get3A_102 = arith.constant 0 : index
    %get3A_103 = vector.load %arg9[%get3A_100, %get3A_101, %get3A_102] : memref<16x32x128xf32, #tpu.memory_space<vmem>>, vector<16x32x128xf32>
    %eq3A_104 = vector.broadcast %get3A_0 : i32 to vector<16x32x128xi32>
    %eq3A_105 = arith.cmpi eq, %iota3A, %eq3A_104 : vector<16x32x128xi32>
    %mul3A_106 = arith.constant 9.900000e-01 : f32
    %mul3A_107 = vector.broadcast %mul3A_106 : f32 to vector<16x32x128xf32>
    %mul3A_108 = arith.mulf %mul3A_107, %get3A_103 : vector<16x32x128xf32>
    %mul3A_109 = arith.constant 0.00999999977 : f32
    %mul3A_110 = vector.broadcast %mul3A_109 : f32 to vector<16x32x128xf32>
    %mul3A_111 = arith.mulf %mul3A_110, %roll3A : vector<16x32x128xf32>
    %add3A_112 = arith.addf %mul3A_108, %mul3A_111 : vector<16x32x128xf32>
    %select_n3A_113 = arith.select %eq3A_105, %add3A_112, %get3A_103 : vector<16x32x128xi1>, vector<16x32x128xf32>
    %swap3A_114 = arith.constant 0 : index
    %swap3A_115 = arith.constant 0 : index
    %swap3A_116 = arith.constant 0 : index
    %swap3A_117 = vector.load %arg9[%swap3A_114, %swap3A_115, %swap3A_116] : memref<16x32x128xf32, #tpu.memory_space<vmem>>, vector<16x32x128xf32>
    tpu.vector_store %arg9[%swap3A_114, %swap3A_115, %swap3A_116], %select_n3A_113 {strides = array<i32>} : memref<16x32x128xf32, #tpu.memory_space<vmem>>, vector<16x32x128xf32>,
    %eq3A_118 = arith.constant 255 : i32
    %eq3A_119 = arith.cmpi eq, %arg0, %eq3A_118 : i32
    %convert_element_type3A_120 = arith.extui %eq3A_119 : i1 to i32
    %cond3A_121 = arith.constant 0 : i32
    %cond3A_122 = arith.cmpi ne, %convert_element_type3A_120, %cond3A_121 : i32
    scf.if %cond3A_122 {
      %get3A_123 = arith.constant 0 : index
      %get3A_124 = arith.constant 0 : index
      %get3A_125 = memref.load %arg12[%get3A_123, %get3A_124] : memref<1x1xf32, #tpu.memory_space<smem>>
      %neg3A = arith.constant 0.000000e+00 : f32
      %neg3A_126 = arith.subf %neg3A, %get3A_125 : f32
      %get3A_127 = arith.constant 0 : index
      %get3A_128 = arith.constant 0 : index
      %get3A_129 = memref.load %arg13[%get3A_127, %get3A_128] : memref<1x1xf32, #tpu.memory_space<smem>>
      %add3A_130 = arith.constant 1.1920929E-7 : f32
      %add3A_131 = arith.addf %get3A_129, %add3A_130 : f32
      %div3A = arith.divf %neg3A_126, %add3A_131 : f32
      %swap3A_132 = arith.constant 0 : index
      %swap3A_133 = arith.constant 0 : index
      %swap3A_134 = memref.load %arg11[%swap3A_132, %swap3A_133] : memref<1x1xf32, #tpu.memory_space<smem>>
      memref.store %div3A, %arg11[%swap3A_132, %swap3A_133] : memref<1x1xf32, #tpu.memory_space<smem>>
    } else {
    }
    return
  }
  func.func @transform_0(%arg0: i32, %arg1: memref<256xi32, #tpu.memory_space<smem>>, %arg2: memref<256xi32, #tpu.memory_space<smem>>, %arg3: memref<256xi32, #tpu.memory_space<smem>>, %arg4: memref<256xi32, #tpu.memory_space<smem>>) -> (i32, i32, i32) {
    %get3A = arith.index_cast %arg0 : i32 to index
    %get3A_0 = memref.load %arg1[%get3A] : memref<256xi32, #tpu.memory_space<smem>>
    %c0_i32 = arith.constant 0 : i32
    %c0_i32_1 = arith.constant 0 : i32
    %c0_i32_2 = arith.constant 0 : i32
    return %c0_i32, %c0_i32_1, %get3A_0 : i32, i32, i32
  }
  func.func @transform_1(%arg0: i32, %arg1: memref<256xi32, #tpu.memory_space<smem>>, %arg2: memref<256xi32, #tpu.memory_space<smem>>, %arg3: memref<256xi32, #tpu.memory_space<smem>>, %arg4: memref<256xi32, #tpu.memory_space<smem>>) -> (i32, i32, i32) {
    %get3A = arith.index_cast %arg0 : i32 to index
    %get3A_0 = memref.load %arg3[%get3A] : memref<256xi32, #tpu.memory_space<smem>>
    %jit3A = arith.constant 128 : i32
    %div3A = arith.divsi %get3A_0, %jit3A : i32
    %sign3A = arith.constant 0 : i32
    %sign3A_1 = arith.cmpi sgt, %get3A_0, %sign3A : i32
    %sign3A_2 = arith.extui %sign3A_1 : i1 to i32
    %sign3A_3 = arith.constant 0 : i32
    %sign3A_4 = arith.cmpi slt, %get3A_0, %sign3A_3 : i32
    %sign3A_5 = arith.extui %sign3A_4 : i1 to i32
    %sign3A_6 = arith.subi %sign3A_2, %sign3A_5 : i32
    %sign3A_7 = arith.constant 0 : i32
    %sign3A_8 = arith.cmpi sgt, %jit3A, %sign3A_7 : i32
    %sign3A_9 = arith.extui %sign3A_8 : i1 to i32
    %sign3A_10 = arith.constant 0 : i32
    %sign3A_11 = arith.cmpi slt, %jit3A, %sign3A_10 : i32
    %sign3A_12 = arith.extui %sign3A_11 : i1 to i32
    %sign3A_13 = arith.subi %sign3A_9, %sign3A_12 : i32
    %ne3A = arith.cmpi ne, %sign3A_6, %sign3A_13 : i32
    %rem3A = arith.remsi %get3A_0, %jit3A : i32
    %ne3A_14 = arith.constant 0 : i32
    %ne3A_15 = arith.cmpi ne, %rem3A, %ne3A_14 : i32
    %and3A = arith.andi %ne3A, %ne3A_15 : i1
    %sub3A = arith.constant 1 : i32
    %sub3A_16 = arith.subi %div3A, %sub3A : i32
    %select_n3A = arith.select %and3A, %sub3A_16, %div3A : i32
    %c0_i32 = arith.constant 0 : i32
    %c0_i32_17 = arith.constant 0 : i32
    %c0_i32_18 = arith.constant 0 : i32
    return %c0_i32, %c0_i32_17, %select_n3A : i32, i32, i32
  }
  func.func @transform_2(%arg0: i32, %arg1: memref<256xi32, #tpu.memory_space<smem>>, %arg2: memref<256xi32, #tpu.memory_space<smem>>, %arg3: memref<256xi32, #tpu.memory_space<smem>>, %arg4: memref<256xi32, #tpu.memory_space<smem>>) -> (i32, i32, i32) {
    %get3A = arith.index_cast %arg0 : i32 to index
    %get3A_0 = memref.load %arg3[%get3A] : memref<256xi32, #tpu.memory_space<smem>>
    %c0_i32 = arith.constant 0 : i32
    %c0_i32_1 = arith.constant 0 : i32
    %c0_i32_2 = arith.constant 0 : i32
    return %get3A_0, %c0_i32, %c0_i32_1 : i32, i32, i32
  }
  func.func @transform_3(%arg0: i32, %arg1: memref<256xi32, #tpu.memory_space<smem>>, %arg2: memref<256xi32, #tpu.memory_space<smem>>, %arg3: memref<256xi32, #tpu.memory_space<smem>>, %arg4: memref<256xi32, #tpu.memory_space<smem>>) -> (i32, i32, i32) {
    %get3A = arith.index_cast %arg0 : i32 to index
    %get3A_0 = memref.load %arg3[%get3A] : memref<256xi32, #tpu.memory_space<smem>>
    %c0_i32 = arith.constant 0 : i32
    %c0_i32_1 = arith.constant 0 : i32
    %c0_i32_2 = arith.constant 0 : i32
    return %get3A_0, %c0_i32, %c0_i32_1 : i32, i32, i32
  }
  func.func @transform_4(%arg0: i32, %arg1: memref<256xi32, #tpu.memory_space<smem>>, %arg2: memref<256xi32, #tpu.memory_space<smem>>, %arg3: memref<256xi32, #tpu.memory_space<smem>>, %arg4: memref<256xi32, #tpu.memory_space<smem>>) -> (i32, i32, i32) {
    %get3A = arith.index_cast %arg0 : i32 to index
    %get3A_0 = memref.load %arg1[%get3A] : memref<256xi32, #tpu.memory_space<smem>>
    %c0_i32 = arith.constant 0 : i32
    %c0_i32_1 = arith.constant 0 : i32
    %c0_i32_2 = arith.constant 0 : i32
    return %c0_i32, %c0_i32_1, %get3A_0 : i32, i32, i32
  }
  func.func @transform_5(%arg0: i32, %arg1: memref<256xi32, #tpu.memory_space<smem>>, %arg2: memref<256xi32, #tpu.memory_space<smem>>, %arg3: memref<256xi32, #tpu.memory_space<smem>>, %arg4: memref<256xi32, #tpu.memory_space<smem>>) -> (i32, i32, i32) {
    %get3A = arith.index_cast %arg0 : i32 to index
    %get3A_0 = memref.load %arg3[%get3A] : memref<256xi32, #tpu.memory_space<smem>>
    %c0_i32 = arith.constant 0 : i32
    %c0_i32_1 = arith.constant 0 : i32
    %c0_i32_2 = arith.constant 0 : i32
    return %get3A_0, %c0_i32, %c0_i32_1 : i32, i32, i32
  }
  func.func @transform_6(%arg0: i32, %arg1: memref<256xi32, #tpu.memory_space<smem>>, %arg2: memref<256xi32, #tpu.memory_space<smem>>, %arg3: memref<256xi32, #tpu.memory_space<smem>>, %arg4: memref<256xi32, #tpu.memory_space<smem>>) -> (i32, i32) {
    %c0_i32 = arith.constant 0 : i32
    %c0_i32_0 = arith.constant 0 : i32
    %c0_i32_1 = arith.constant 0 : i32
    return %c0_i32, %c0_i32_0 : i32, i32
  }
}

</mosaic_0001>

<sc_bundles>
// kernel: kernel.6.cloned.1.call-start
scs
__scs_entry_jumppad:
0x0: {  	(pc) =	sbr.rel $0x88, $3  }
0x1: {  	(tag) =	ssettag $0x0;
	lr =	simm.s32 $0x1  }
0x2: {  	[smem:$0x3F9C] =	sst lr;
	_ =	strace $0xD0000000  }
0x3: {  	_ = 	snop  }
0x4: {  	_ = 	snop  }
0x5: {  	_ = 	snop  }
0x6: {  	_ = 	snop  }
0x7: {  	_ = 	snop  }
__scs_overlays_trampoline_lowered:
0x8: {  	[smem:$0x3FAB] =	sst s0  }
0x9: {  	[smem:$0x3FAC] =	sst s1  }
0xa: {  	[smem:$0x3FAD] =	sst s2  }
0xb: {  	[smem:$0x3FAE] =	sst s3  }
0xc: {  	[smem:$0x3FAF] =	sst s4  }
0xd: {  	[smem:$0x3FB0] =	sst s5  }
0xe: {  	[smem:$0x3FB1] =	sst s6  }
0xf: {  	[smem:$0x3FB2] =	sst s7  }
0x10: {  	[smem:$0x3FB3] =	sst s8  }
0x11: {  	[smem:$0x3FB4] =	sst s9;
	s0 =	simm.s32 @!p0 $0x0  }
0x12: {  	s1 =	sld [smem:$0x3F9A];
	s0 =	simm.s32 @p0 $0x1  }
0x13: {  	[smem:$0x3FB5] =	sst s0;
	s0 =	simm.s32 @!p1 $0x0  }
0x14: {  	s2 =	sld [smem:$0x3F99];
	s0 =	simm.s32 @p1 $0x1  }
0x15: {  	[smem:$0x3FB6] =	sst s0;
	s0 =	simm.s32 @!p2 $0x0  }
0x16: {  	s3 =	sld [smem:$0x3FDB];
	s0 =	simm.s32 @p2 $0x1  }
0x17: {  	s4 =	simm.s32 $0x1BF5;
	[smem:$0x3FB8] =	sst s0  }
0x18: {  	s0 =	sld [smem:$0x3F9B];
	_ =	swait.ge [sflag:s4], $0x0  }
0x19: {  	s7 =	sld [smem:$0x3F9C]  }
0x1a: {  	s8 =	sadd.s32 $0xFFFFE003, lr  }
0x1b: {  	s9 =	sadd.s32 $0xFFFFFEF7, lr;
	s5 =	simm.s32 $0xFFFFFFFF;
	p2 =	slt.u32 s8, $0xFFFFF086  }
0x1c: {  	p1 =	slt.u32 s9, $0xF7A;
	s5 =	simm.s32 @!p2 $0x0  }
0x1d: {  	s5 =	simm.s32 @p1 $0x1;
	p0 =	seq.s32 s7, s2  }
0x1e: {  	s7 =	smul.u32 @!p0 $0xF7A, s2;
	p2 =	seq.s32 @!p0 s5, $0x0  }
0x1f: {  	s9 =	smul.u32 $0xF7A, s1;
	s8 =	simm.s32 @!p0 $0x1BF5;
	p2 =	por !p2, p0  }
0x20: {  	[sflag:s8] =	ssyncset.s32 @!p0 $0xFFFFF086;
	s6 =	sadd.s32 @!p0 s3, s7;
	s7 =	simm.s32 @!p0 $0x108  }
0x21: {  	s3 =	sadd.s32 s3, s9;
	s6 =	sadd.s32 @!p0 $0x88, s6;
	s7 =	simm.s32 @p2 $0x1082  }
0x22: {  	[simem:s7], [sflag:s8] =	dma.local @!p0 [hbm:s6], $0xF7A  }
0x23: {  	s9 =	sor.u32 $0xD0000000, s2;
	s6 =	simm.s32 $0x108;
	_ =	swait.ge @!p0 [sflag:s8], $0x0  }
0x24: {  	s3 =	sadd.s32 $0x88, s3;
	s6 =	simm.s32 @!p1 $0x1082;
	[sflag:s4] =	ssyncset.s32 $0xFFFFF086  }
0x25: {  	[simem:s6], [sflag:s4] =	dma.local [hbm:s3], $0xF7A  }
0x26: {  	[smem:$0x3F9C] =	sst s1;
	(tag) =	ssettag s2;
	_ =	strace s9  }
0x27: {  	s1 =	sld [smem:$0x3FAC]  }
0x28: {  	s2 =	sld [smem:$0x3FAD]  }
0x29: {  	s4 =	sld [smem:$0x3FAF]  }
0x2a: {  	p0 =	seq.s32 s5, $0x0;
	s5 =	sld [smem:$0x3FB0]  }
0x2b: {  	s6 =	sld [smem:$0x3FB1]  }
0x2c: {  	s7 =	sld [smem:$0x3FB2]  }
0x2d: {  	s3 =	simm.s32 $0x108;
	s8 =	sld [smem:$0x3FB3]  }
0x2e: {  	s3 =	simm.s32 @!p0 $0x1082;
	s9 =	sld [smem:$0x3FB4]  }
0x2f: {  	lr =	sadd.s32 s0, s3;
	s0 =	sld [smem:$0x3FAB]  }
0x30: {  	s3 =	sld [smem:$0x3FAE]  }
0x31: {  	[smem:$0x3FB7] =	sst s10  }
0x32: {  	s10 =	sld [smem:$0x3FB5];
	_ =	sdelay $0x3  }
0x33: {  	p0 =	seq.s32 s10, $0x1;
	s10 =	sld [smem:$0x3FB7];
	_ =	sdelay $0x3  }
0x34: {  	[smem:$0x3FB7] =	sst s10  }
0x35: {  	s10 =	sld [smem:$0x3FB6];
	_ =	sdelay $0x3  }
0x36: {  	p1 =	seq.s32 s10, $0x1;
	s10 =	sld [smem:$0x3FB7];
	_ =	sdelay $0x3  }
0x37: {  	[smem:$0x3FB7] =	sst s10  }
0x38: {  	s10 =	sld [smem:$0x3FB8]  }
0x39: {  	_ = 	snop;
	(pc) =	sbr.ind lr, $3  }
0x3a: {  	_ = 	snop  }
0x3b: {  	_ = 	snop  }
0x3c: {  	p2 =	seq.s32 s10, $0x1;
	s10 =	sld [smem:$0x3FB7]  }
0x3d: {  	_ =	shalt  }
0x3e: {  	_ =	shalt  }
0x3f: {  	_ =	shalt  }
0x40: {  	_ =	shalt  }
0x41: {  	_ =	shalt  }
0x42: {  	_ =	shalt  }
0x43: {  	_ =	shalt  }
0x44: {  	_ =	shalt  }
0x45: {  	_ =	shalt  }
0x46: {  	_ =	shalt  }
0x47: {  	_ =	shalt  }
0x48: {  	_ =	shalt  }
0x49: {  	_ =	shalt  }
0x4a: {  	_ =	shalt  }
0x4b: {  	_ =	shalt  }
0x4c: {  	_ =	shalt  }
0x4d: {  	_ =	shalt  }
0x4e: {  	_ =	shalt  }
0x4f: {  	_ =	shalt  }
0x50: {  	_ =	shalt  }
0x51: {  	_ =	shalt  }
0x52: {  	_ =	shalt  }
0x53: {  	_ =	shalt  }
0x54: {  	_ =	shalt  }
0x55: {  	_ =	shalt  }
0x56: {  	_ =	shalt  }
0x57: {  	_ =	shalt  }
0x58: {  	_ =	shalt  }
0x59: {  	_ =	shalt  }
0x5a: {  	_ =	shalt  }
0x5b: {  	_ =	shalt  }
0x5c: {  	_ =	shalt  }
0x5d: {  	_ =	shalt  }
0x5e: {  	_ =	shalt  }
0x5f: {  	_ =	shalt  }
0x60: {  	_ =	shalt  }
0x61: {  	_ =	shalt  }
0x62: {  	_ =	shalt  }
0x63: {  	_ =	shalt  }
0x64: {  	_ =	shalt  }
0x65: {  	_ =	shalt  }
0x66: {  	_ =	shalt  }
0x67: {  	_ =	shalt  }
0x68: {  	_ =	shalt  }
0x69: {  	_ =	shalt  }
0x6a: {  	_ =	shalt  }
0x6b: {  	_ =	shalt  }
0x6c: {  	_ =	shalt  }
0x6d: {  	_ =	shalt  }
0x6e: {  	_ =	shalt  }
0x6f: {  	_ =	shalt  }
0x70: {  	_ =	shalt  }
0x71: {  	_ =	shalt  }
0x72: {  	_ =	shalt  }
0x73: {  	_ =	shalt  }
0x74: {  	_ =	shalt  }
0x75: {  	_ =	shalt  }
0x76: {  	_ =	shalt  }
0x77: {  	_ =	shalt  }
0x78: {  	_ =	shalt  }
0x79: {  	_ =	shalt  }
0x7a: {  	_ =	shalt  }
0x7b: {  	_ =	shalt  }
0x7c: {  	_ =	shalt  }
0x7d: {  	_ =	shalt  }
0x7e: {  	_ =	shalt  }
0x7f: {  	_ =	shalt  }
0x80: {  	_ =	shalt  }
0x81: {  	_ =	shalt  }
0x82: {  	_ =	shalt  }
0x83: {  	_ =	shalt  }
0x84: {  	_ =	shalt  }
0x85: {  	_ =	shalt  }
0x86: {  	_ =	shalt  }
0x87: {  	_ =	shalt  }
.Lfunc_end0:
.L_simem_size_0:
called_computation_lowered:
.L_overlay_start_0:
0x88: {  	s2 =	sld [smem:$0x3FD9]  }
0x89: {  	s3 =	sld [smem:$0x3FFE];
	_ =	sdelay $0x1  }
0x8a: {  	s1 =	srdreg.scid  }
0x8b: {  	s0 =	sand.u32 $0x1, s1  }
0x8c: {  	s15 =	sshll.u32 s0, $0xA;
	s2 =	sadd.s32 s3, s2  }
0x8d: {  	s2 =	sadd.s32 s2, s15  }
0x8e: {  	[smem:$0x3FC3] =	sst s2  }
0x8f: {  	_ = 	snop  }
0x90: {  	s2 =	sld [smem:$0x3FD0];
	_ =	sdelay $0x2  }
0x91: {  	s4 =	simm.s32 $0xA;
	s5 =	simm.s32 $0x10;
	s16 =	sld [smem:$0x3FC5]  }
0x92: {  	[smem:s5], [sflag:s4] =	dma.local [hbm:s2], $0x1  }
0x93: {  	_ =	swait.eq [sflag:s4], $0x1  }
0x94: {  	[sflag:s4] =	ssyncset.done $0x0  }
0x95: {  	[sflag:s4] =	ssyncadd.s32 $0xFFFFFFFF  }
0x96: {  	s17 =	sld [smem:$0x14];
	(tm) =	ssettm $0x1  }
0x97: {  	s18 =	sld [smem:$0x3FFB];
	_ =	sdelay $0x3  }
0x98: {  	_ =	strace s18  }
0x99: {  	s4 =	sld [smem:$0x3FFC];
	_ =	sdelay $0x3  }
0x9a: {  	_ =	strace s4  }
0x9b: {  	s4 =	sld [smem:$0x3FFD];
	_ =	sdelay $0x3  }
0x9c: {  	_ =	strace s4  }
0x9d: {  	_ =	strace $0x8FFFFFFF  }
0x9e: {  	s19 =	sld [smem:$0x3FDB];
	_ =	sdelay $0x1  }
0x9f: {  	s20 =	simm.s32 $_scs_section_size  }
0xa0: {  	s6 =	simm.s32 $_size__tile_overlayer_lowered;
	s7 =	simm.s32 $_tile_overlayer_lowered  }
0xa1: {  	s23 =	simm.s32 $0x1BFF;
	s22 =	sshll.u32 s7, $0x1;
	s4 =	sadd.s32 s20, s19  }
0xa2: {  	s8 =	simm.s32 $0x0;
	s21 =	sshll.u32 s6, $0x1;
	s6 =	sadd.s32 s22, s4  }
0xa3: {  	[timem:s8], [sflag:s23] =	dma.local [hbm:s6], s21  }
0xa4: {  	_ =	swait.ge [sflag:s23], s21  }
0xa5: {  	s5 =	ssub.s32 $0x0, s21;
	[sflag:s23] =	ssyncset.done $0x0  }
0xa6: {  	[sflag:s23] =	ssyncadd.s32 s5;
	_ =	sdelay $0x1  }
0xa7: {  	s24 =	simm.s32 $0x1B8B  }
0xa8: {  	_ =	swait.ge [sflag:s24], $0x1  }
0xa9: {  	[sflag:s24] =	ssyncset.done $0x0  }
0xaa: {  	s25 =	simm.s32 $0x1B8E;
	[sflag:s24] =	ssyncadd.s32 $0xFFFFFFFF  }
0xab: {  	s26 =	simm.s32 $execute0_lowered;
	[smem:$0x3FD2] =	sst s25  }
0xac: {  	s5 =	sshll.u32 s26, $0x1;
	_ =	strace $0x80000046;
	[dreg:$0x1] =	wrdreg $0xFFFFFFFF  }
0xad: {  	s28 =	simm.s32 $_size_execute0_lowered;
	s4 =	sadd.s32 s4, s5;
	[dreg:$0x0] =	wrdreg $0x0  }
0xae: {  	s5 =	sshll.u32 s28, $0x1;
	[dreg:$0x2] =	wrdreg s4  }
0xaf: {  	[dreg:$0x3] =	wrdreg s5  }
0xb0: {  	[dreg:$0x4] =	wrdreg $0xC0  }
0xb1: {  	_ =	task [dreg:s8], $0x5FFFF  }
0xb2: {  	[dreg:$0x1] =	wrdreg $0xFFFFFFFF  }
0xb3: {  	[dreg:$0x0] =	wrdreg $0x60  }
0xb4: {  	[dreg:$0x2] =	wrdreg s16  }
0xb5: {  	[dreg:$0x3] =	wrdreg s17  }
0xb6: {  	[dreg:$0x4] =	wrdreg $0x9  }
0xb7: {  	_ =	task.clear_ibuf [dreg:s8], $0x5FFFF;
	_ =	strace $0x90000046  }
0xb8: {  	s29 =	simm.s32 $0x9;
	_ =	strace $0x80000048  }
0xb9: {  	_ =	swait.ge [sflag:s29], $0x1  }
0xba: {  	[sflag:s29] =	ssyncadd.s32 $0xFFFFFFFF  }
0xbb: {  	_ =	strace $0x90000048  }
0xbc: {  	_ =	sfence  }
0xbd: {  	s30 =	sld [smem:$0x0];
	_ =	sdelay $0x2  }
0xbe: {  	s31 =	sshll.u32 s1, $0xD;
	s1 =	sshrl.u32 s1, $0x2  }
0xbf: {  	s3 =	sand.u32 $0x4000, s31;
	s1 =	sadd.s32 s1, s30  }
0xc0: {  	s0 =	sor.u32 s3, s0;
	s1 =	sshll.u32 s1, $0x11  }
0xc1: {  	s0 =	sor.u32 s1, s0  }
0xc2: {  	s0 =	sadd.s32 $0x8F2B, s0  }
0xc3: {  	[sflag:s0] =	ssyncadd.remote.s32 $0x1  }
0xc4: {  	_ =	sfence.sel $0xFFFF  }
0xc5: {  	[dreg:$0x0] =	wrdreg $0xFFFFFFFF;
	(pc) =	sbr.abs _section_cstart, $3  }
0xc6: {  	[dreg:$0x1] =	wrdreg $0xFFFFFFFF  }
0xc7: {  	_ =	task.clear_ibuf [dreg:s8], $0x2FFFF;
	_ =	strace $0x9FFFFFFF  }
0xc8: {  	(tm) =	ssettm $0x7FFFFFFF  }
0xc9: {  	_ =	shalt  }
tec
execute0_lowered:
.L_overlay_start_1:
0x0: {  	(tag) =	ssettag $0x1  }
0x1: {  	s2 =	rddreg [dreg:$0x0];
	s0 =	srdreg.scid  }
0x2: {  	s3 =	rddreg [dreg:$0x1];
	s4 =	sand.u32 $0x1, s0  }
0x3: {  	s1 =	stileid.u32;
	s6 =	sshll.u32 s4, $0x1;
	s4 =	ssub.s32 $0x2, s4  }
0x4: {  	s29 =	simm.s32 $0x0;
	s5 =	sshll.u32 s1, $0x2;
	s30 =	sshrl.u32 s4, $0x1  }
0x5: {  	s0 =	rddreg [dreg:$0x2];
	s5 =	sor.u32 s6, s5;
	s6 =	ssub.s32 s4, s30  }
0x6: {  	[smem:$0x7FF] =	sst s29;
	s6 =	smax.u32 s6, $0x1  }
0x7: {  	s31 =	sshll.u32 s1, $0x6;
	s5 =	smul.u32 $0x18700, s5;
	p0 =	sne.s32 s6, $0x1  }
.Ltmp0:
0x8: {  	_ =	strace $0x80000047;
	s4 =	sor.u32 $0x1C01, s31;
	(pc) =	sbr.rel @!p0 .LBB2_2-.Ltmp0, $4  }
0x9: {  	s2 =	sadd.s32 s2, s5;
	s3 =	sadd.s32 s3, s5;
	s5 =	simm.s32 $0x1  }
0xa: {  	[hbm:s3], [sflag:s4] =	dma.local [hbm:s2], $0x30E00  }
0xb: {  	_ =	swait.ge [sflag:s5], $0x30E00  }
0xc: {  	s6 =	sadd.s32 $0xFFFFFFFF, s6;
	[sflag:s5] =	ssyncset.done $0x0  }
.LBB2_1:
0xd: {  	p0 =	sne.s32 s6, $0x1;
	s6 =	sadd.s32 $0xFFFFFFFF, s6;
	[sflag:s5] =	ssyncadd.s32 $0xFFFCF200  }
.Ltmp1:
0xe: {  	(pc) =	sbr.rel @p0 .LBB2_1-.Ltmp1, $4  }
0xf: {  	_ = 	snop  }
0x10: {  	[hbm:s3], [sflag:s4] =	dma.local [hbm:s2], $0x30E00  }
0x11: {  	_ =	swait.ge [sflag:s5], $0x30E00  }
0x12: {  	[sflag:s5] =	ssyncset.done $0x0  }
.LBB2_2:
0x13: {  	[sflag:s5] =	ssyncadd.s32 $0xFFFCF200  }
0x14: {  	_ =	sfence.sel $0x180000  }
0x15: {  	[bflag:$0x0] =	sbarrier.arrive $0xFFFF  }
0x16: {  	p0 =	sne.s32 s1, $0x0;
	_ =	strace $0x90000047  }
0x17: {  	s0 =	sadd.s32 @!p0 $0x100000, s0;
	[bflag:$0x2] =	sbarrier.arrive $0xFFFF  }
0x18: {  	[sflag:s0] =	ssyncadd.tile.s32 @!p0 $0x1;
	_ =	shalt  }
.Lfunc_end2:
_tile_overlayer_lowered:
.L_overlay_start_2:
0x19: {  	(tag) =	ssettag $0x2  }
0x1a: {  	s0 =	rddreg [dreg:$0x0];
	s2 =	stileid.u32  }
0x1b: {  	s1 =	rddreg [dreg:$0x1];
	p0 =	sne.s32 s2, $0x0  }
0x1c: {  	s3 =	rddreg [dreg:$0x2];
	[bflag:$0x3] =	sbarrier.arrive $0xFFFF;
	s2 =	simm.s32 @!p0 $0x1C01  }
0x1d: {  	[timem:s3], [sflag:s2] =	dma.local @!p0 [hbm:s0], s1  }
0x1e: {  	s0 =	simm.s32 @!p0 $0x1  }
0x1f: {  	_ =	swait.ge @!p0 [sflag:s0], s1  }
0x20: {  	s1 =	ssub.s32 @!p0 $0x0, s1;
	[sflag:s0] =	ssyncset.done @!p0 $0x0  }
0x21: {  	[sflag:s0] =	ssyncadd.s32 @!p0 s1  }
0x22: {  	[bflag:$0x3] =	sbarrier.arrive $0xFFFF  }
0x23: {  	_ =	shalt  }

</sc_bundles>
